<compile_context>
chip_gen: v7x
topology: tpu7x:2x2x1
jax: 0.10.2.dev20260603
libtpu: 0.0.44.dev20260713+nightly
codegen_flags: <defaults>
</compile_context>

<pallas_src>
import functools

import jax
import jax.numpy as jnp
from jax import lax
from jax.experimental import pallas as pl
from jax.experimental.pallas import tpu as pltpu
from jax.experimental.pallas import tpu_sc as plsc

_MAX_EFFECT_AMOUNT = 10.0
_B = 16384
_DM = 256
_FW = 128
_SW = 48
_OHW = 64
_ZROW = 1000
_NW = 32
_BPW = _B // _NW
_BLK = 2048



@functools.cache
def _make_card_gather():
    @functools.partial(
        pl.kernel,
        mesh=plsc.VectorSubcoreMesh(core_axis_name="c", subcore_axis_name="s"),
        out_type=jax.ShapeDtypeStruct((_B, _FW), jnp.float32),
        scratch_types=[
            pltpu.VMEM((_BPW,), jnp.int32),
            pltpu.VMEM((_BPW, _FW), jnp.float32),
            pltpu.SemaphoreType.DMA,
        ],
    )
    def _card_gather(table_hbm, idx_hbm, out_hbm, idx_v, rows_v, sem):
        wid = lax.axis_index("s") * 2 + lax.axis_index("c")
        base = wid * _BPW
        pltpu.sync_copy(idx_hbm.at[pl.ds(base, _BPW)], idx_v)
        pltpu.async_copy(table_hbm.at[idx_v], rows_v, sem).wait()
        pltpu.sync_copy(rows_v, out_hbm.at[pl.ds(base, _BPW)])

    return _card_gather



def _prep_body(te, pe, ee, w1t, w1p, w1e, w1c_pad, w_flag, b1,
               ms_out, mc_out):
    flag = (lax.broadcasted_iota(jnp.int32, (8, 1), 0) == 2).astype(jnp.float32)
    ms_out[0:8, :] = (jnp.dot(te[...], w1t[...],
                              preferred_element_type=jnp.float32)
                      + b1[...] + flag * w_flag[...])
    ms_out[8:24, :] = jnp.dot(pe[...], w1p[...],
                              preferred_element_type=jnp.float32)
    ms_out[24:48, :] = jnp.dot(ee[...], w1e[...],
                               preferred_element_type=jnp.float32)
    ms_out[48:64, :] = jnp.zeros((16, _DM), jnp.float32)
    mc_out[0:80, :] = w1c_pad[...]
    mc_out[80:128, :] = jnp.zeros((48, _DM), jnp.float32)



def _main_body(oh_ref, card_ref, ms_ref, mc_ref, w2_ref, b2_ref, out_ref):
    oh = oh_ref[...].astype(jnp.float32)
    cmask = jnp.sum(oh[:, 0:4], axis=1, keepdims=True)
    h_pre = (jnp.dot(oh, ms_ref[...], preferred_element_type=jnp.float32,
                     precision=lax.Precision.DEFAULT)
             + jnp.dot(card_ref[...] * cmask, mc_ref[...],
                       preferred_element_type=jnp.float32,
                       precision=lax.Precision.DEFAULT))
    h = jnp.maximum(h_pre, 0.0)
    out_ref[...] = jnp.dot(h, w2_ref[...],
                           preferred_element_type=jnp.float32,
                           precision=lax.Precision.DEFAULT) + b2_ref[...]


def kernel(type_idx, card_idx, patron_idx, effect_idx, effect_amt,
           type_emb, patron_emb, effect_emb, card_table, W1, b1, W2, b2):
    f32 = jnp.float32

    w1t = W1[0:256]
    w1c = W1[256:321]
    w1p = W1[321:331]
    w1e = W1[331:587]
    w_flag = W1[587:588]
    type_pad = jnp.pad(type_emb, ((0, 1), (0, 0)))
    patron_pad = jnp.pad(patron_emb, ((0, 6), (0, 0)))
    effect_pad = jnp.pad(effect_emb, ((0, 6), (0, 0)))
    w1c_pad = jnp.pad(w1c, ((0, 15), (0, 0)))
    card_pad = jnp.pad(card_table, ((0, 0), (0, _FW - 65)))

    ms, mc = pl.pallas_call(
        _prep_body,
        out_shape=[
            jax.ShapeDtypeStruct((_OHW, _DM), f32),
            jax.ShapeDtypeStruct((_FW, _DM), f32),
        ],
    )(type_pad, patron_pad, effect_pad, w1t, w1p, w1e, w1c_pad, w_flag,
      b1.reshape(1, _DM))

    card_rows = _make_card_gather()(card_pad, card_idx)

    col = jnp.arange(_OHW, dtype=jnp.int32)[None, :]
    sec = jnp.where(type_idx == 4, patron_idx + 8,
                    jnp.where(type_idx == 5, effect_idx + 24, 127))
    val = jnp.where(type_idx == 5,
                    1.0 + effect_amt / _MAX_EFFECT_AMOUNT, 1.0)
    oh = ((col == type_idx[:, None]).astype(f32)
          + (col == sec[:, None]).astype(f32)
          * val[:, None]).astype(jnp.bfloat16)

    nblk = _B // _BLK
    out = pl.pallas_call(
        _main_body,
        grid=(nblk,),
        in_specs=[
            pl.BlockSpec((_BLK, _OHW), lambda i: (i, 0)),
            pl.BlockSpec((_BLK, _FW), lambda i: (i, 0)),
            pl.BlockSpec((_OHW, _DM), lambda i: (0, 0)),
            pl.BlockSpec((_FW, _DM), lambda i: (0, 0)),
            pl.BlockSpec((_DM, _DM), lambda i: (0, 0)),
            pl.BlockSpec((1, _DM), lambda i: (0, 0)),
        ],
        out_specs=pl.BlockSpec((_BLK, _DM), lambda i: (i, 0)),
        out_shape=jax.ShapeDtypeStruct((_B, _DM), f32),
    )(oh, card_rows, ms, mc, W2, b2.reshape(1, _DM))
    return out

# --- scband reference (transcript-rebuilt; emitter-appended) ---
"""Pipeline reference for scband-move-encoder-37606733643858 (READ-ONLY COPY).

The authoritative reference and input builder live on the scoring server;
editing this copy changes nothing except your own understanding.
"""

import jax, jax.numpy as jnp
import numpy as np

D_MODEL = 256
N_TYPES = 7
N_PATRONS = 10
PATRON_DIM = 10
N_EFFECTS = 18
CARD_VOCAB = 1000
CARD_DIM = 65
MAX_EFFECT_AMOUNT = 10.0
BATCH = 16384
IN_DIM = D_MODEL + CARD_DIM + PATRON_DIM + D_MODEL + 1


def setup_inputs(seed: int = 0) -> dict:
    key = jax.random.key(seed)
    ks = jax.random.split(key, 16)
    type_idx = jax.random.randint(ks[0], (BATCH,), 0, N_TYPES, dtype=jnp.int64) if jax.config.jax_enable_x64 else jax.random.randint(ks[0], (BATCH,), 0, N_TYPES).astype(jnp.int32)
    card_idx = jax.random.randint(ks[1], (BATCH,), 0, CARD_VOCAB).astype(jnp.int32)
    patron_idx = jax.random.randint(ks[2], (BATCH,), 0, N_PATRONS).astype(jnp.int32)
    effect_idx = jax.random.randint(ks[3], (BATCH,), 0, N_EFFECTS).astype(jnp.int32)
    effect_amt = jax.random.uniform(ks[4], (BATCH,), dtype=jnp.float32) * MAX_EFFECT_AMOUNT
    type_emb = jax.random.normal(ks[5], (N_TYPES, D_MODEL), dtype=jnp.float32)
    patron_emb = jax.random.normal(ks[6], (N_PATRONS, PATRON_DIM), dtype=jnp.float32)
    effect_emb = jax.random.normal(ks[7], (N_EFFECTS, D_MODEL), dtype=jnp.float32)
    card_table = jax.random.normal(ks[8], (CARD_VOCAB, CARD_DIM), dtype=jnp.float32)
    W1 = jax.random.normal(ks[9], (IN_DIM, D_MODEL), dtype=jnp.float32) * (1.0 / np.sqrt(IN_DIM))
    b1 = jnp.zeros((D_MODEL,), dtype=jnp.float32)
    W2 = jax.random.normal(ks[10], (D_MODEL, D_MODEL), dtype=jnp.float32) * (1.0 / np.sqrt(D_MODEL))
    b2 = jnp.zeros((D_MODEL,), dtype=jnp.float32)
    return {
        "type_idx": type_idx.astype(jnp.int32),
        "card_idx": card_idx,
        "patron_idx": patron_idx,
        "effect_idx": effect_idx,
        "effect_amt": effect_amt,
        "type_emb": type_emb,
        "patron_emb": patron_emb,
        "effect_emb": effect_emb,
        "card_table": card_table,
        "W1": W1, "b1": b1, "W2": W2, "b2": b2,
    }


def reference(type_idx, card_idx, patron_idx, effect_idx, effect_amt,
              type_emb, patron_emb, effect_emb, card_table, W1, b1, W2, b2):
    # Batched equivalent of MoveEncoder._encode_stub applied to a batch of moves.
    # Gather embeddings (SparseCore-friendly gathers):
    vec_type = jnp.take(type_emb, type_idx, axis=0)            # [B, d_model]
    vec_card = jnp.take(card_table, card_idx, axis=0)          # [B, 65]
    vec_pat = jnp.take(patron_emb, patron_idx, axis=0)         # [B, 10]
    scale = (1.0 + effect_amt / MAX_EFFECT_AMOUNT)[:, None]    # [B, 1]
    vec_choice = jnp.take(effect_emb, effect_idx, axis=0) * scale  # [B, d_model]
    # Zero-out fields that don't apply to the move type (as in the original branching):
    card_mask = jnp.isin(type_idx, jnp.array([0, 1, 2, 3], dtype=type_idx.dtype)).astype(jnp.float32)[:, None]
    pat_mask = (type_idx == 4).astype(jnp.float32)[:, None]
    choice_mask = (type_idx == 5).astype(jnp.float32)[:, None]
    flag_att = (type_idx == 2).astype(jnp.float32)[:, None]    # [B, 1]
    vec_card = vec_card * card_mask
    vec_pat = vec_pat * pat_mask
    vec_choice = vec_choice * choice_mask
    concat = jnp.concatenate([vec_type, vec_card, vec_pat, vec_choice, flag_att], axis=-1)  # [B, in_dim]
    h = jax.nn.relu(concat @ W1 + b1)
    out = h @ W2 + b2
    return out

if __name__ == "__main__":
    import jax
    _d = setup_inputs()
    print(jax.jit(kernel)(*tuple(_d.values())))

</pallas_src>

<mosaic_0001>
#map = affine_map<(d0, d1) -> (0, 0)>
#map1 = affine_map<(d0, d1) -> (0)>
module attributes {stable_mosaic.version = 14 : i64} {
  func.func @_card_gather(%arg0: i32, %arg1: i32, %arg2: memref<1000x128xf32, #tpu.memory_space<hbm>>, %arg3: memref<16384xi32, #tpu.memory_space<hbm>>, %arg4: memref<16384x128xf32, #tpu.memory_space<hbm>>, %arg5: memref<512xi32, #tpu.memory_space<vmem>>, %arg6: memref<512x128xf32, #tpu.memory_space<vmem>>, %arg7: memref<!tpu.dma_semaphore, #tpu.memory_space<semaphore_mem>>) attributes {dimension_semantics = [#tpu.dimension_semantics<core_parallel>, #tpu.dimension_semantics<subcore_parallel>], iteration_bounds = array<i64: 2, 16>, scalar_prefetch = 0 : i64, scratch_operands = 3 : i64, tpu.core_type = #tpu.core_type<sc_vector_subcore>, window_params = [{transform_indices = #map}, {transform_indices = #map1}, {transform_indices = #map}]} {
    %mul3A = arith.constant 2 : i32
    %mul3A_0 = arith.muli %arg1, %mul3A : i32
    %add3A = arith.addi %mul3A_0, %arg0 : i32
    %mul3A_1 = arith.constant 512 : i32
    %mul3A_2 = arith.muli %add3A, %mul3A_1 : i32
    "tpu.region"() ({
      %run_scoped3A = tpu.sem_alloc : memref<!tpu.dma_semaphore, #tpu.memory_space<semaphore_mem>>
      %dma_start3A_7 = tpu.memref_slice %arg3[%mul3A_2] : memref<16384xi32, #tpu.memory_space<hbm>> -> memref<512xi32, #tpu.memory_space<hbm>>
      %dma_start3A_8 = tpu.memref_slice %arg3[%mul3A_2] : memref<16384xi32, #tpu.memory_space<hbm>> -> memref<512xi32, #tpu.memory_space<hbm>>
      tpu.enqueue_dma source(%dma_start3A_8 : memref<512xi32, #tpu.memory_space<hbm>>) target(%arg5 : memref<512xi32, #tpu.memory_space<vmem>>) target_semaphore(%run_scoped3A : memref<!tpu.dma_semaphore, #tpu.memory_space<semaphore_mem>>)
      %dma_wait3A_9 = tpu.memref_slice %arg3[%mul3A_2] : memref<16384xi32, #tpu.memory_space<hbm>> -> memref<512xi32, #tpu.memory_space<hbm>>
      %dma_wait3A_10 = tpu.memref_slice %arg3[%mul3A_2] : memref<16384xi32, #tpu.memory_space<hbm>> -> memref<512xi32, #tpu.memory_space<hbm>>
      tpu.wait_dma2 semaphore(%run_scoped3A : memref<!tpu.dma_semaphore, #tpu.memory_space<semaphore_mem>>) src(%dma_wait3A_10 : memref<512xi32, #tpu.memory_space<hbm>>) dst(%arg5 : memref<512xi32, #tpu.memory_space<vmem>>)
      tpu.yield
    }) : () -> ()
    %dma_start3A = arith.constant 0 : i32
    %dma_start3A_3 = arith.constant 0 : i32
    %dma_start3A_4 = tpu.memref_slice %arg2[%dma_start3A, %dma_start3A_3] : memref<1000x128xf32, #tpu.memory_space<hbm>> -> memref<1000x128xf32, #tpu.memory_space<hbm>>
    tpu.enqueue_indirect_dma source(%dma_start3A_4 : memref<1000x128xf32, #tpu.memory_space<hbm>>) target(%arg6 : memref<512x128xf32, #tpu.memory_space<vmem>>) offsets(%arg5 : memref<512xi32, #tpu.memory_space<vmem>>) semaphore(%arg7 : memref<!tpu.dma_semaphore, #tpu.memory_space<semaphore_mem>>)
    %dma_wait3A = arith.constant 0 : i32
    %dma_wait3A_5 = arith.constant 0 : i32
    %dma_wait3A_6 = tpu.memref_slice %arg2[%dma_wait3A, %dma_wait3A_5] : memref<1000x128xf32, #tpu.memory_space<hbm>> -> memref<1000x128xf32, #tpu.memory_space<hbm>>
    tpu.wait_indirect_dma semaphore(%arg7 : memref<!tpu.dma_semaphore, #tpu.memory_space<semaphore_mem>>) src(%dma_wait3A_6 : memref<1000x128xf32, #tpu.memory_space<hbm>>) dst(%arg6 : memref<512x128xf32, #tpu.memory_space<vmem>>)
    "tpu.region"() ({
      %run_scoped3A = tpu.sem_alloc : memref<!tpu.dma_semaphore, #tpu.memory_space<semaphore_mem>>
      %dma_start3A_7 = arith.constant 0 : i32
      %dma_start3A_8 = tpu.memref_slice %arg4[%mul3A_2, %dma_start3A_7] : memref<16384x128xf32, #tpu.memory_space<hbm>> -> memref<512x128xf32, #tpu.memory_space<hbm>>
      %dma_start3A_9 = arith.constant 0 : i32
      %dma_start3A_10 = tpu.memref_slice %arg4[%mul3A_2, %dma_start3A_9] : memref<16384x128xf32, #tpu.memory_space<hbm>> -> memref<512x128xf32, #tpu.memory_space<hbm>>
      tpu.enqueue_dma source(%arg6 : memref<512x128xf32, #tpu.memory_space<vmem>>) target(%dma_start3A_10 : memref<512x128xf32, #tpu.memory_space<hbm>>) target_semaphore(%run_scoped3A : memref<!tpu.dma_semaphore, #tpu.memory_space<semaphore_mem>>)
      %dma_wait3A_11 = arith.constant 0 : i32
      %dma_wait3A_12 = tpu.memref_slice %arg4[%mul3A_2, %dma_wait3A_11] : memref<16384x128xf32, #tpu.memory_space<hbm>> -> memref<512x128xf32, #tpu.memory_space<hbm>>
      %dma_wait3A_13 = arith.constant 0 : i32
      %dma_wait3A_14 = tpu.memref_slice %arg4[%mul3A_2, %dma_wait3A_13] : memref<16384x128xf32, #tpu.memory_space<hbm>> -> memref<512x128xf32, #tpu.memory_space<hbm>>
      tpu.wait_dma2 semaphore(%run_scoped3A : memref<!tpu.dma_semaphore, #tpu.memory_space<semaphore_mem>>) src(%arg6 : memref<512x128xf32, #tpu.memory_space<vmem>>) dst(%dma_wait3A_14 : memref<512x128xf32, #tpu.memory_space<hbm>>)
      tpu.yield
    }) : () -> ()
    return
  }
}

module attributes {stable_mosaic.version = 14 : i64} {
  func.func @_prep_body(%arg0: memref<8x256xf32, #tpu.memory_space<vmem>>, %arg1: memref<16x10xf32, #tpu.memory_space<vmem>>, %arg2: memref<24x256xf32, #tpu.memory_space<vmem>>, %arg3: memref<256x256xf32, #tpu.memory_space<vmem>>, %arg4: memref<10x256xf32, #tpu.memory_space<vmem>>, %arg5: memref<256x256xf32, #tpu.memory_space<vmem>>, %arg6: memref<80x256xf32, #tpu.memory_space<vmem>>, %arg7: memref<1x256xf32, #tpu.memory_space<vmem>>, %arg8: memref<1x256xf32, #tpu.memory_space<vmem>>, %arg9: memref<64x256xf32, #tpu.memory_space<vmem>>, %arg10: memref<128x256xf32, #tpu.memory_space<vmem>>) attributes {dimension_semantics = [], scalar_prefetch = 0 : i64, scratch_operands = 0 : i64, tpu.core_type = #tpu.core_type<tc>} {
    %iota3A = tpu.iota {dimensions = array<i32: 0>} : vector<8x1xi32>
    %eq3A = arith.constant 2 : i32
    %eq3A_0 = vector.broadcast %eq3A : i32 to vector<8x1xi32>
    %eq3A_1 = arith.cmpi eq, %iota3A, %eq3A_0 : vector<8x1xi32>
    %convert_element_type3A = arith.extui %eq3A_1 : vector<8x1xi1> to vector<8x1xi32>
    %convert_element_type3A_2 = arith.sitofp %convert_element_type3A : vector<8x1xi32> to vector<8x1xf32>
    %get3A = arith.constant 0 : index
    %get3A_3 = arith.constant 0 : index
    %get3A_4 = vector.load %arg0[%get3A, %get3A_3] : memref<8x256xf32, #tpu.memory_space<vmem>>, vector<8x256xf32>
    %get3A_5 = arith.constant 0 : index
    %get3A_6 = arith.constant 0 : index
    %get3A_7 = vector.load %arg3[%get3A_5, %get3A_6] : memref<256x256xf32, #tpu.memory_space<vmem>>, vector<256x256xf32>
    %dot_general3A = arith.constant dense<0.000000e+00> : vector<8x256xf32>
    %dot_general3A_8 = tpu.matmul %get3A_4, %get3A_7, %dot_general3A {dimension_numbers = #tpu.dot_dimension_numbers<[1], [0], [0], [1], [0, 0, 1, 1], [], []>, transpose_lhs_hint = false} : vector<8x256xf32>, vector<256x256xf32>, vector<8x256xf32> -> vector<8x256xf32>
    %get3A_9 = arith.constant 0 : index
    %get3A_10 = arith.constant 0 : index
    %get3A_11 = vector.load %arg8[%get3A_9, %get3A_10] : memref<1x256xf32, #tpu.memory_space<vmem>>, vector<1x256xf32>
    %add3A = vector.broadcast %get3A_11 : vector<1x256xf32> to vector<8x256xf32>
    %add3A_12 = arith.addf %dot_general3A_8, %add3A : vector<8x256xf32>
    %get3A_13 = arith.constant 0 : index
    %get3A_14 = arith.constant 0 : index
    %get3A_15 = vector.load %arg7[%get3A_13, %get3A_14] : memref<1x256xf32, #tpu.memory_space<vmem>>, vector<1x256xf32>
    %mul3A = vector.broadcast %convert_element_type3A_2 : vector<8x1xf32> to vector<8x256xf32>
    %mul3A_16 = vector.broadcast %get3A_15 : vector<1x256xf32> to vector<8x256xf32>
    %mul3A_17 = arith.mulf %mul3A, %mul3A_16 : vector<8x256xf32>
    %add3A_18 = arith.addf %add3A_12, %mul3A_17 : vector<8x256xf32>
    %swap3A = arith.constant 0 : index
    %swap3A_19 = arith.constant 0 : index
    %swap3A_20 = vector.load %arg9[%swap3A, %swap3A_19] : memref<64x256xf32, #tpu.memory_space<vmem>>, vector<8x256xf32>
    tpu.vector_store %arg9[%swap3A, %swap3A_19], %add3A_18 {strides = array<i32>} : memref<64x256xf32, #tpu.memory_space<vmem>>, vector<8x256xf32>,
    %get3A_21 = arith.constant 0 : index
    %get3A_22 = arith.constant 0 : index
    %get3A_23 = vector.load %arg1[%get3A_21, %get3A_22] : memref<16x10xf32, #tpu.memory_space<vmem>>, vector<16x10xf32>
    %get3A_24 = arith.constant 0 : index
    %get3A_25 = arith.constant 0 : index
    %get3A_26 = vector.load %arg4[%get3A_24, %get3A_25] : memref<10x256xf32, #tpu.memory_space<vmem>>, vector<10x256xf32>
    %dot_general3A_27 = arith.constant dense<0.000000e+00> : vector<16x256xf32>
    %dot_general3A_28 = tpu.matmul %get3A_23, %get3A_26, %dot_general3A_27 {dimension_numbers = #tpu.dot_dimension_numbers<[1], [0], [0], [1], [0, 0, 1, 1], [], []>, transpose_lhs_hint = false} : vector<16x10xf32>, vector<10x256xf32>, vector<16x256xf32> -> vector<16x256xf32>
    %swap3A_29 = arith.constant 8 : index
    %swap3A_30 = arith.constant 0 : index
    %swap3A_31 = vector.load %arg9[%swap3A_29, %swap3A_30] : memref<64x256xf32, #tpu.memory_space<vmem>>, vector<16x256xf32>
    tpu.vector_store %arg9[%swap3A_29, %swap3A_30], %dot_general3A_28 {strides = array<i32>} : memref<64x256xf32, #tpu.memory_space<vmem>>, vector<16x256xf32>,
    %get3A_32 = arith.constant 0 : index
    %get3A_33 = arith.constant 0 : index
    %get3A_34 = vector.load %arg2[%get3A_32, %get3A_33] : memref<24x256xf32, #tpu.memory_space<vmem>>, vector<24x256xf32>
    %get3A_35 = arith.constant 0 : index
    %get3A_36 = arith.constant 0 : index
    %get3A_37 = vector.load %arg5[%get3A_35, %get3A_36] : memref<256x256xf32, #tpu.memory_space<vmem>>, vector<256x256xf32>
    %dot_general3A_38 = arith.constant dense<0.000000e+00> : vector<24x256xf32>
    %dot_general3A_39 = tpu.matmul %get3A_34, %get3A_37, %dot_general3A_38 {dimension_numbers = #tpu.dot_dimension_numbers<[1], [0], [0], [1], [0, 0, 1, 1], [], []>, transpose_lhs_hint = false} : vector<24x256xf32>, vector<256x256xf32>, vector<24x256xf32> -> vector<24x256xf32>
    %swap3A_40 = arith.constant 24 : index
    %swap3A_41 = arith.constant 0 : index
    %swap3A_42 = vector.load %arg9[%swap3A_40, %swap3A_41] : memref<64x256xf32, #tpu.memory_space<vmem>>, vector<24x256xf32>
    tpu.vector_store %arg9[%swap3A_40, %swap3A_41], %dot_general3A_39 {strides = array<i32>} : memref<64x256xf32, #tpu.memory_space<vmem>>, vector<24x256xf32>,
    %broadcast_in_dim3A = arith.constant 0.000000e+00 : f32
    %broadcast_in_dim3A_43 = vector.broadcast %broadcast_in_dim3A : f32 to vector<16x256xf32>
    %swap3A_44 = arith.constant 48 : index
    %swap3A_45 = arith.constant 0 : index
    %swap3A_46 = vector.load %arg9[%swap3A_44, %swap3A_45] : memref<64x256xf32, #tpu.memory_space<vmem>>, vector<16x256xf32>
    tpu.vector_store %arg9[%swap3A_44, %swap3A_45], %broadcast_in_dim3A_43 {strides = array<i32>} : memref<64x256xf32, #tpu.memory_space<vmem>>, vector<16x256xf32>,
    %get3A_47 = arith.constant 0 : index
    %get3A_48 = arith.constant 0 : index
    %get3A_49 = vector.load %arg6[%get3A_47, %get3A_48] : memref<80x256xf32, #tpu.memory_space<vmem>>, vector<80x256xf32>
    %swap3A_50 = arith.constant 0 : index
    %swap3A_51 = arith.constant 0 : index
    %swap3A_52 = vector.load %arg10[%swap3A_50, %swap3A_51] : memref<128x256xf32, #tpu.memory_space<vmem>>, vector<80x256xf32>
    tpu.vector_store %arg10[%swap3A_50, %swap3A_51], %get3A_49 {strides = array<i32>} : memref<128x256xf32, #tpu.memory_space<vmem>>, vector<80x256xf32>,
    %broadcast_in_dim3A_53 = arith.constant 0.000000e+00 : f32
    %broadcast_in_dim3A_54 = vector.broadcast %broadcast_in_dim3A_53 : f32 to vector<48x256xf32>
    %swap3A_55 = arith.constant 80 : index
    %swap3A_56 = arith.constant 0 : index
    %swap3A_57 = vector.load %arg10[%swap3A_55, %swap3A_56] : memref<128x256xf32, #tpu.memory_space<vmem>>, vector<48x256xf32>
    tpu.vector_store %arg10[%swap3A_55, %swap3A_56], %broadcast_in_dim3A_54 {strides = array<i32>} : memref<128x256xf32, #tpu.memory_space<vmem>>, vector<48x256xf32>,
    return
  }
}

module attributes {stable_mosaic.version = 14 : i64} {
  func.func @_main_body(%arg0: i32, %arg1: memref<2048x64xbf16, #tpu.memory_space<vmem>>, %arg2: memref<2048x128xf32, #tpu.memory_space<vmem>>, %arg3: memref<64x256xf32, #tpu.memory_space<vmem>>, %arg4: memref<128x256xf32, #tpu.memory_space<vmem>>, %arg5: memref<256x256xf32, #tpu.memory_space<vmem>>, %arg6: memref<1x256xf32, #tpu.memory_space<vmem>>, %arg7: memref<2048x256xf32, #tpu.memory_space<vmem>>) attributes {dimension_semantics = [#tpu.dimension_semantics<arbitrary>], iteration_bounds = array<i64: 8>, scalar_prefetch = 0 : i64, scratch_operands = 0 : i64, tpu.core_type = #tpu.core_type<tc>, window_params = [{transform_indices = @transform_0, window_bounds = array<i64: 2048, 64>}, {transform_indices = @transform_1, window_bounds = array<i64: 2048, 128>}, {pipeline_mode = #tpu.pipeline_mode<synchronous>, transform_indices = @transform_2, window_bounds = array<i64: 64, 256>}, {pipeline_mode = #tpu.pipeline_mode<synchronous>, transform_indices = @transform_3, window_bounds = array<i64: 128, 256>}, {pipeline_mode = #tpu.pipeline_mode<synchronous>, transform_indices = @transform_4, window_bounds = array<i64: 256, 256>}, {pipeline_mode = #tpu.pipeline_mode<synchronous>, transform_indices = @transform_5, window_bounds = array<i64: 1, 256>}, {transform_indices = @transform_6, window_bounds = array<i64: 2048, 256>}]} {
    %get3A = arith.constant 0 : index
    %get3A_0 = arith.constant 0 : index
    %get3A_1 = vector.load %arg1[%get3A, %get3A_0] : memref<2048x64xbf16, #tpu.memory_space<vmem>>, vector<2048x64xbf16>
    %convert_element_type3A = arith.extf %get3A_1 : vector<2048x64xbf16> to vector<2048x64xf32>
    %slice3A = vector.extract_strided_slice %convert_element_type3A {offsets = [0, 0], sizes = [2048, 4], strides = [1, 1]} : vector<2048x64xf32> to vector<2048x4xf32>
    %reduce_sum3A = arith.constant dense<0.000000e+00> : vector<2048xf32>
    %reduce_sum3A_2 = vector.multi_reduction <add>, %slice3A, %reduce_sum3A [1] : vector<2048x4xf32> to vector<2048xf32>
    %broadcast_in_dim3A = vector.shape_cast %reduce_sum3A_2 : vector<2048xf32> to vector<2048x1xf32>
    %get3A_3 = arith.constant 0 : index
    %get3A_4 = arith.constant 0 : index
    %get3A_5 = vector.load %arg3[%get3A_3, %get3A_4] : memref<64x256xf32, #tpu.memory_space<vmem>>, vector<64x256xf32>
    %dot_general3A = arith.constant dense<0.000000e+00> : vector<2048x256xf32>
    %dot_general3A_6 = tpu.matmul %convert_element_type3A, %get3A_5, %dot_general3A {dimension_numbers = #tpu.dot_dimension_numbers<[1], [0], [0], [1], [0, 0, 1, 1], [], []>, transpose_lhs_hint = false} : vector<2048x64xf32>, vector<64x256xf32>, vector<2048x256xf32> -> vector<2048x256xf32>
    %get3A_7 = arith.constant 0 : index
    %get3A_8 = arith.constant 0 : index
    %get3A_9 = vector.load %arg2[%get3A_7, %get3A_8] : memref<2048x128xf32, #tpu.memory_space<vmem>>, vector<2048x128xf32>
    %mul3A = vector.broadcast %broadcast_in_dim3A : vector<2048x1xf32> to vector<2048x128xf32>
    %mul3A_10 = arith.mulf %get3A_9, %mul3A : vector<2048x128xf32>
    %get3A_11 = arith.constant 0 : index
    %get3A_12 = arith.constant 0 : index
    %get3A_13 = vector.load %arg4[%get3A_11, %get3A_12] : memref<128x256xf32, #tpu.memory_space<vmem>>, vector<128x256xf32>
    %dot_general3A_14 = arith.constant dense<0.000000e+00> : vector<2048x256xf32>
    %dot_general3A_15 = tpu.matmul %mul3A_10, %get3A_13, %dot_general3A_14 {dimension_numbers = #tpu.dot_dimension_numbers<[1], [0], [0], [1], [0, 0, 1, 1], [], []>, transpose_lhs_hint = false} : vector<2048x128xf32>, vector<128x256xf32>, vector<2048x256xf32> -> vector<2048x256xf32>
    %add3A = arith.addf %dot_general3A_6, %dot_general3A_15 : vector<2048x256xf32>
    %max3A = arith.constant 0.000000e+00 : f32
    %max3A_16 = vector.broadcast %max3A : f32 to vector<2048x256xf32>
    %max3A_17 = arith.maximumf %add3A, %max3A_16 : vector<2048x256xf32>
    %get3A_18 = arith.constant 0 : index
    %get3A_19 = arith.constant 0 : index
    %get3A_20 = vector.load %arg5[%get3A_18, %get3A_19] : memref<256x256xf32, #tpu.memory_space<vmem>>, vector<256x256xf32>
    %dot_general3A_21 = arith.constant dense<0.000000e+00> : vector<2048x256xf32>
    %dot_general3A_22 = tpu.matmul %max3A_17, %get3A_20, %dot_general3A_21 {dimension_numbers = #tpu.dot_dimension_numbers<[1], [0], [0], [1], [0, 0, 1, 1], [], []>, transpose_lhs_hint = false} : vector<2048x256xf32>, vector<256x256xf32>, vector<2048x256xf32> -> vector<2048x256xf32>
    %get3A_23 = arith.constant 0 : index
    %get3A_24 = arith.constant 0 : index
    %get3A_25 = vector.load %arg6[%get3A_23, %get3A_24] : memref<1x256xf32, #tpu.memory_space<vmem>>, vector<1x256xf32>
    %add3A_26 = vector.broadcast %get3A_25 : vector<1x256xf32> to vector<2048x256xf32>
    %add3A_27 = arith.addf %dot_general3A_22, %add3A_26 : vector<2048x256xf32>
    %swap3A = arith.constant 0 : index
    %swap3A_28 = arith.constant 0 : index
    %swap3A_29 = vector.load %arg7[%swap3A, %swap3A_28] : memref<2048x256xf32, #tpu.memory_space<vmem>>, vector<2048x256xf32>
    tpu.vector_store %arg7[%swap3A, %swap3A_28], %add3A_27 {strides = array<i32>} : memref<2048x256xf32, #tpu.memory_space<vmem>>, vector<2048x256xf32>,
    return
  }
  func.func @transform_0(%arg0: i32) -> (i32, i32) {
    %c0_i32 = arith.constant 0 : i32
    %c0_i32_0 = arith.constant 0 : i32
    return %arg0, %c0_i32 : i32, i32
  }
  func.func @transform_1(%arg0: i32) -> (i32, i32) {
    %c0_i32 = arith.constant 0 : i32
    %c0_i32_0 = arith.constant 0 : i32
    return %arg0, %c0_i32 : i32, i32
  }
  func.func @transform_2(%arg0: i32) -> (i32, i32) {
    %c0_i32 = arith.constant 0 : i32
    %c0_i32_0 = arith.constant 0 : i32
    %c0_i32_1 = arith.constant 0 : i32
    return %c0_i32, %c0_i32_0 : i32, i32
  }
  func.func @transform_3(%arg0: i32) -> (i32, i32) {
    %c0_i32 = arith.constant 0 : i32
    %c0_i32_0 = arith.constant 0 : i32
    %c0_i32_1 = arith.constant 0 : i32
    return %c0_i32, %c0_i32_0 : i32, i32
  }
  func.func @transform_4(%arg0: i32) -> (i32, i32) {
    %c0_i32 = arith.constant 0 : i32
    %c0_i32_0 = arith.constant 0 : i32
    %c0_i32_1 = arith.constant 0 : i32
    return %c0_i32, %c0_i32_0 : i32, i32
  }
  func.func @transform_5(%arg0: i32) -> (i32, i32) {
    %c0_i32 = arith.constant 0 : i32
    %c0_i32_0 = arith.constant 0 : i32
    %c0_i32_1 = arith.constant 0 : i32
    return %c0_i32, %c0_i32_0 : i32, i32
  }
  func.func @transform_6(%arg0: i32) -> (i32, i32) {
    %c0_i32 = arith.constant 0 : i32
    %c0_i32_0 = arith.constant 0 : i32
    return %arg0, %c0_i32 : i32, i32
  }
}

</mosaic_0001>

<sc_bundles>
// kernel: kernel.5.cloned.1.call-start
scs
__scs_entry_jumppad:
0x0: {  	(pc) =	sbr.rel $0x88, $3  }
0x1: {  	(tag) =	ssettag $0x0;
	lr =	simm.s32 $0x1  }
0x2: {  	[smem:$0x3F94] =	sst lr;
	_ =	strace $0xD0000000  }
0x3: {  	_ = 	snop  }
0x4: {  	_ = 	snop  }
0x5: {  	_ = 	snop  }
0x6: {  	_ = 	snop  }
0x7: {  	_ = 	snop  }
__scs_overlays_trampoline_lowered:
0x8: {  	[smem:$0x3FA3] =	sst s0  }
0x9: {  	[smem:$0x3FA4] =	sst s1  }
0xa: {  	[smem:$0x3FA5] =	sst s2  }
0xb: {  	[smem:$0x3FA6] =	sst s3  }
0xc: {  	[smem:$0x3FA7] =	sst s4  }
0xd: {  	[smem:$0x3FA8] =	sst s5  }
0xe: {  	[smem:$0x3FA9] =	sst s6  }
0xf: {  	[smem:$0x3FAA] =	sst s7  }
0x10: {  	[smem:$0x3FAB] =	sst s8  }
0x11: {  	[smem:$0x3FAC] =	sst s9;
	s0 =	simm.s32 @!p0 $0x0  }
0x12: {  	s1 =	sld [smem:$0x3F92];
	s0 =	simm.s32 @p0 $0x1  }
0x13: {  	[smem:$0x3FAD] =	sst s0;
	s0 =	simm.s32 @!p1 $0x0  }
0x14: {  	s2 =	sld [smem:$0x3F91];
	s0 =	simm.s32 @p1 $0x1  }
0x15: {  	[smem:$0x3FAE] =	sst s0;
	s0 =	simm.s32 @!p2 $0x0  }
0x16: {  	s3 =	sld [smem:$0x3FDB];
	s0 =	simm.s32 @p2 $0x1  }
0x17: {  	s4 =	simm.s32 $0x1BF5;
	[smem:$0x3FB0] =	sst s0  }
0x18: {  	s0 =	sld [smem:$0x3F93];
	_ =	swait.ge [sflag:s4], $0x0  }
0x19: {  	s7 =	sld [smem:$0x3F94]  }
0x1a: {  	s8 =	sadd.s32 $0xFFFFE003, lr  }
0x1b: {  	s9 =	sadd.s32 $0xFFFFFEF7, lr;
	s5 =	simm.s32 $0xFFFFFFFF;
	p2 =	slt.u32 s8, $0xFFFFF086  }
0x1c: {  	p1 =	slt.u32 s9, $0xF7A;
	s5 =	simm.s32 @!p2 $0x0  }
0x1d: {  	s5 =	simm.s32 @p1 $0x1;
	p0 =	seq.s32 s7, s2  }
0x1e: {  	s7 =	smul.u32 @!p0 $0xF7A, s2;
	p2 =	seq.s32 @!p0 s5, $0x0  }
0x1f: {  	s9 =	smul.u32 $0xF7A, s1;
	s8 =	simm.s32 @!p0 $0x1BF5;
	p2 =	por !p2, p0  }
0x20: {  	[sflag:s8] =	ssyncset.s32 @!p0 $0xFFFFF086;
	s6 =	sadd.s32 @!p0 s3, s7;
	s7 =	simm.s32 @!p0 $0x108  }
0x21: {  	s3 =	sadd.s32 s3, s9;
	s6 =	sadd.s32 @!p0 $0x88, s6;
	s7 =	simm.s32 @p2 $0x1082  }
0x22: {  	[simem:s7], [sflag:s8] =	dma.local @!p0 [hbm:s6], $0xF7A  }
0x23: {  	s9 =	sor.u32 $0xD0000000, s2;
	s6 =	simm.s32 $0x108;
	_ =	swait.ge @!p0 [sflag:s8], $0x0  }
0x24: {  	s3 =	sadd.s32 $0x88, s3;
	s6 =	simm.s32 @!p1 $0x1082;
	[sflag:s4] =	ssyncset.s32 $0xFFFFF086  }
0x25: {  	[simem:s6], [sflag:s4] =	dma.local [hbm:s3], $0xF7A  }
0x26: {  	[smem:$0x3F94] =	sst s1;
	(tag) =	ssettag s2;
	_ =	strace s9  }
0x27: {  	s1 =	sld [smem:$0x3FA4]  }
0x28: {  	s2 =	sld [smem:$0x3FA5]  }
0x29: {  	s4 =	sld [smem:$0x3FA7]  }
0x2a: {  	p0 =	seq.s32 s5, $0x0;
	s5 =	sld [smem:$0x3FA8]  }
0x2b: {  	s6 =	sld [smem:$0x3FA9]  }
0x2c: {  	s7 =	sld [smem:$0x3FAA]  }
0x2d: {  	s3 =	simm.s32 $0x108;
	s8 =	sld [smem:$0x3FAB]  }
0x2e: {  	s3 =	simm.s32 @!p0 $0x1082;
	s9 =	sld [smem:$0x3FAC]  }
0x2f: {  	lr =	sadd.s32 s0, s3;
	s0 =	sld [smem:$0x3FA3]  }
0x30: {  	s3 =	sld [smem:$0x3FA6]  }
0x31: {  	[smem:$0x3FAF] =	sst s10  }
0x32: {  	s10 =	sld [smem:$0x3FAD];
	_ =	sdelay $0x3  }
0x33: {  	p0 =	seq.s32 s10, $0x1;
	s10 =	sld [smem:$0x3FAF];
	_ =	sdelay $0x3  }
0x34: {  	[smem:$0x3FAF] =	sst s10  }
0x35: {  	s10 =	sld [smem:$0x3FAE];
	_ =	sdelay $0x3  }
0x36: {  	p1 =	seq.s32 s10, $0x1;
	s10 =	sld [smem:$0x3FAF];
	_ =	sdelay $0x3  }
0x37: {  	[smem:$0x3FAF] =	sst s10  }
0x38: {  	s10 =	sld [smem:$0x3FB0]  }
0x39: {  	_ = 	snop;
	(pc) =	sbr.ind lr, $3  }
0x3a: {  	_ = 	snop  }
0x3b: {  	_ = 	snop  }
0x3c: {  	p2 =	seq.s32 s10, $0x1;
	s10 =	sld [smem:$0x3FAF]  }
0x3d: {  	_ =	shalt  }
0x3e: {  	_ =	shalt  }
0x3f: {  	_ =	shalt  }
0x40: {  	_ =	shalt  }
0x41: {  	_ =	shalt  }
0x42: {  	_ =	shalt  }
0x43: {  	_ =	shalt  }
0x44: {  	_ =	shalt  }
0x45: {  	_ =	shalt  }
0x46: {  	_ =	shalt  }
0x47: {  	_ =	shalt  }
0x48: {  	_ =	shalt  }
0x49: {  	_ =	shalt  }
0x4a: {  	_ =	shalt  }
0x4b: {  	_ =	shalt  }
0x4c: {  	_ =	shalt  }
0x4d: {  	_ =	shalt  }
0x4e: {  	_ =	shalt  }
0x4f: {  	_ =	shalt  }
0x50: {  	_ =	shalt  }
0x51: {  	_ =	shalt  }
0x52: {  	_ =	shalt  }
0x53: {  	_ =	shalt  }
0x54: {  	_ =	shalt  }
0x55: {  	_ =	shalt  }
0x56: {  	_ =	shalt  }
0x57: {  	_ =	shalt  }
0x58: {  	_ =	shalt  }
0x59: {  	_ =	shalt  }
0x5a: {  	_ =	shalt  }
0x5b: {  	_ =	shalt  }
0x5c: {  	_ =	shalt  }
0x5d: {  	_ =	shalt  }
0x5e: {  	_ =	shalt  }
0x5f: {  	_ =	shalt  }
0x60: {  	_ =	shalt  }
0x61: {  	_ =	shalt  }
0x62: {  	_ =	shalt  }
0x63: {  	_ =	shalt  }
0x64: {  	_ =	shalt  }
0x65: {  	_ =	shalt  }
0x66: {  	_ =	shalt  }
0x67: {  	_ =	shalt  }
0x68: {  	_ =	shalt  }
0x69: {  	_ =	shalt  }
0x6a: {  	_ =	shalt  }
0x6b: {  	_ =	shalt  }
0x6c: {  	_ =	shalt  }
0x6d: {  	_ =	shalt  }
0x6e: {  	_ =	shalt  }
0x6f: {  	_ =	shalt  }
0x70: {  	_ =	shalt  }
0x71: {  	_ =	shalt  }
0x72: {  	_ =	shalt  }
0x73: {  	_ =	shalt  }
0x74: {  	_ =	shalt  }
0x75: {  	_ =	shalt  }
0x76: {  	_ =	shalt  }
0x77: {  	_ =	shalt  }
0x78: {  	_ =	shalt  }
0x79: {  	_ =	shalt  }
0x7a: {  	_ =	shalt  }
0x7b: {  	_ =	shalt  }
0x7c: {  	_ =	shalt  }
0x7d: {  	_ =	shalt  }
0x7e: {  	_ =	shalt  }
0x7f: {  	_ =	shalt  }
0x80: {  	_ =	shalt  }
0x81: {  	_ =	shalt  }
0x82: {  	_ =	shalt  }
0x83: {  	_ =	shalt  }
0x84: {  	_ =	shalt  }
0x85: {  	_ =	shalt  }
0x86: {  	_ =	shalt  }
0x87: {  	_ =	shalt  }
.Lfunc_end0:
.L_simem_size_0:
called_computation_lowered:
.L_overlay_start_0:
0x88: {  	s2 =	sld [smem:$0x3FD9]  }
0x89: {  	s3 =	sld [smem:$0x3FFE];
	_ =	sdelay $0x1  }
0x8a: {  	s1 =	srdreg.scid  }
0x8b: {  	s0 =	sand.u32 $0x1, s1  }
0x8c: {  	s17 =	sshll.u32 s0, $0xA;
	s2 =	sadd.s32 s3, s2  }
0x8d: {  	s2 =	sadd.s32 s2, s17  }
0x8e: {  	[smem:$0x3FBB] =	sst s2  }
0x8f: {  	_ = 	snop  }
0x90: {  	s2 =	sld [smem:$0x3FC8]  }
0x91: {  	s18 =	sld [smem:$0x3FD0];
	(tm) =	ssettm $0x1  }
0x92: {  	s4 =	sld [smem:$0x3FFB];
	_ =	sdelay $0x3  }
0x93: {  	_ =	strace s4  }
0x94: {  	s4 =	sld [smem:$0x3FFC];
	_ =	sdelay $0x3  }
0x95: {  	_ =	strace s4  }
0x96: {  	s4 =	sld [smem:$0x3FFD];
	_ =	sdelay $0x3  }
0x97: {  	_ =	strace s4  }
0x98: {  	_ =	strace $0x8FFFFFFF  }
0x99: {  	s19 =	sld [smem:$0x3FDB];
	_ =	sdelay $0x1  }
0x9a: {  	s5 =	simm.s32 $_scs_section_size  }
0x9b: {  	s6 =	simm.s32 $_size__tile_overlayer_lowered;
	s7 =	simm.s32 $_tile_overlayer_lowered  }
0x9c: {  	s22 =	simm.s32 $0x1BFF;
	s21 =	sshll.u32 s7, $0x1;
	s4 =	sadd.s32 s5, s19  }
0x9d: {  	s8 =	simm.s32 $0x0;
	s20 =	sshll.u32 s6, $0x1;
	s6 =	sadd.s32 s21, s4  }
0x9e: {  	[timem:s8], [sflag:s22] =	dma.local [hbm:s6], s20  }
0x9f: {  	_ =	swait.ge [sflag:s22], s20  }
0xa0: {  	s5 =	ssub.s32 $0x0, s20;
	[sflag:s22] =	ssyncset.done $0x0  }
0xa1: {  	[sflag:s22] =	ssyncadd.s32 s5;
	_ =	sdelay $0x1  }
0xa2: {  	s23 =	simm.s32 $0x1B8B  }
0xa3: {  	_ =	swait.ge [sflag:s23], $0x1  }
0xa4: {  	[sflag:s23] =	ssyncset.done $0x0  }
0xa5: {  	s25 =	simm.s32 $0x1B8E;
	s24 =	sld [smem:$0x3FFE];
	[sflag:s23] =	ssyncadd.s32 $0xFFFFFFFF  }
0xa6: {  	s26 =	simm.s32 $execute0_lowered;
	[smem:$0x3FD2] =	sst s25  }
0xa7: {  	s6 =	sshll.u32 s26, $0x1;
	_ =	strace $0x80000046;
	[dreg:$0x1] =	wrdreg $0xFFFFFFFF  }
0xa8: {  	s28 =	simm.s32 $_size_execute0_lowered;
	s4 =	sadd.s32 s4, s6;
	[dreg:$0x0] =	wrdreg $0x0  }
0xa9: {  	s6 =	sshll.u32 s28, $0x1;
	[dreg:$0x2] =	wrdreg s4  }
0xaa: {  	[dreg:$0x3] =	wrdreg s6  }
0xab: {  	[dreg:$0x4] =	wrdreg $0xC0  }
0xac: {  	_ =	task [dreg:s8], $0x5FFFF  }
0xad: {  	[dreg:$0x1] =	wrdreg $0xFFFFFFFF  }
0xae: {  	[dreg:$0x0] =	wrdreg $0x60  }
0xaf: {  	[dreg:$0x2] =	wrdreg s24  }
0xb0: {  	[dreg:$0x3] =	wrdreg s2  }
0xb1: {  	[dreg:$0x4] =	wrdreg s18  }
0xb2: {  	[dreg:$0x5] =	wrdreg $0x9  }
0xb3: {  	_ =	task.clear_ibuf [dreg:s8], $0x6FFFF;
	_ =	strace $0x90000046  }
0xb4: {  	s29 =	simm.s32 $0x9;
	_ =	strace $0x80000048  }
0xb5: {  	_ =	swait.ge [sflag:s29], $0x1  }
0xb6: {  	[sflag:s29] =	ssyncadd.s32 $0xFFFFFFFF  }
0xb7: {  	_ =	strace $0x90000048  }
0xb8: {  	_ =	sfence  }
0xb9: {  	s30 =	sld [smem:$0x0];
	_ =	sdelay $0x2  }
0xba: {  	s31 =	sshll.u32 s1, $0xD;
	s1 =	sshrl.u32 s1, $0x2  }
0xbb: {  	s3 =	sand.u32 $0x4000, s31;
	s1 =	sadd.s32 s1, s30  }
0xbc: {  	s0 =	sor.u32 s3, s0;
	s1 =	sshll.u32 s1, $0x11  }
0xbd: {  	s0 =	sor.u32 s1, s0  }
0xbe: {  	s0 =	sadd.s32 $0x8F2B, s0  }
0xbf: {  	[sflag:s0] =	ssyncadd.remote.s32 $0x1  }
0xc0: {  	_ =	sfence.sel $0xFFFF  }
0xc1: {  	[dreg:$0x0] =	wrdreg $0xFFFFFFFF;
	(pc) =	sbr.abs _section_cstart, $3  }
0xc2: {  	[dreg:$0x1] =	wrdreg $0xFFFFFFFF  }
0xc3: {  	_ =	task.clear_ibuf [dreg:s8], $0x2FFFF;
	_ =	strace $0x9FFFFFFF  }
0xc4: {  	(tm) =	ssettm $0x7FFFFFFF  }
0xc5: {  	_ =	shalt  }
tec
execute0_lowered:
.L_overlay_start_1:
0x0: {  	(tag) =	ssettag $0x1  }
0x1: {  	s5 =	rddreg [dreg:$0x0]  }
0x2: {  	s1 =	srdreg.scid;
	s3 =	rddreg [dreg:$0x1]  }
0x3: {  	s0 =	stileid.u32;
	s8 =	rddreg [dreg:$0x2];
	s6 =	sand.u32 $0x1, s1  }
0x4: {  	s2 =	simm.s32 $0x0;
	s4 =	sshll.u32 s0, $0xA;
	s7 =	sshll.u32 s6, $0x9  }
0x5: {  	[smem:$0x7FF] =	sst s2;
	s9 =	sor.u32 s7, s4  }
0x6: {  	s1 =	rddreg [dreg:$0x3];
	_ =	strace $0x80000047;
	s4 =	sshrl.u32 s9, $0x3  }
0x7: {  	s10 =	ssub.s32 $0x2, s6;
	s4 =	sadd.s32 s3, s4;
	s3 =	simm.s32 $0x2  }
0x8: {  	[tilespmem:s2], [sflag:$0x2] =	stream.linear.gather [hbm4b:s4+s2], $0x200, $0x38;
	[tilespmem:$0x10200] =	vst v63  }
0x9: {  	s5 =	sadd.s32 $0x2400, s5;
	s11 =	sshrl.u32 s10, $0x1;
	_ =	swait.ge [sflag:s3], $0x200  }
0xa: {  	s6 =	simm.s32 $0x200;
	s10 =	ssub.s32 s10, s11;
	[sflag:s3] =	ssyncset.done $0x0  }
0xb: {  	s7 =	simm.s32 $0x1;
	s31 =	smax.u32 s10, $0x1;
	[sflag:s3] =	ssyncadd.s32 $0xFFFFFE00  }
0xc: {  	[tilespmem:s6], [sflag:$0x1] =	stream.indirect.gather [hbm4b:s5+s6], $0x80, s2, s6, $0xb8;
	[tilespmem:$0x10200] =	vst v63  }
0xd: {  	p0 =	sne.s32 s31, $0x1;
	_ =	swait.ge [sflag:s7], $0x10000  }
.Ltmp0:
0xe: {  	s9 =	sshll.u32 s9, $0x4;
	[sflag:s7] =	ssyncset.done $0x0;
	(pc) =	sbr.rel @!p0 .LBB2_2-.Ltmp0, $4  }
0xf: {  	s8 =	sadd.s32 s8, s9;
	[sflag:s7] =	ssyncadd.s32 $0xFFFF0000  }
0x10: {  	[hbm4b:s8+s2] =	stream.linear.scatter [tilespmem:s6], [sflag:$0x2], $0x10000, $0x38;
	[tilespmem:$0x10200] =	vst v63  }
0x11: {  	_ =	swait.ge [sflag:s3], $0x10000  }
0x12: {  	s9 =	sadd.s32 $0xFFFFFFFF, s31;
	[sflag:s3] =	ssyncset.done $0x0  }
.LBB2_1:
0x13: {  	p0 =	sne.s32 s9, $0x1;
	s9 =	sadd.s32 $0xFFFFFFFF, s9;
	[sflag:s3] =	ssyncadd.s32 $0xFFFF0000  }
0x14: {  	[tilespmem:s2], [sflag:$0x2] =	stream.linear.gather [hbm4b:s4+s2], $0x200, $0x38;
	[tilespmem:$0x10200] =	vst v63  }
0x15: {  	_ =	swait.ge [sflag:s3], $0x200  }
0x16: {  	[sflag:s3] =	ssyncset.done $0x0  }
0x17: {  	[sflag:s3] =	ssyncadd.s32 $0xFFFFFE00  }
0x18: {  	[tilespmem:s6], [sflag:$0x1] =	stream.indirect.gather [hbm4b:s5+s6], $0x80, s2, s6, $0xb8;
	[tilespmem:$0x10200] =	vst v63  }
0x19: {  	_ =	swait.ge [sflag:s7], $0x10000  }
.Ltmp1:
0x1a: {  	[sflag:s7] =	ssyncset.done $0x0;
	(pc) =	sbr.rel @p0 .LBB2_1-.Ltmp1, $4  }
0x1b: {  	[sflag:s7] =	ssyncadd.s32 $0xFFFF0000  }
0x1c: {  	[hbm4b:s8+s2] =	stream.linear.scatter [tilespmem:s6], [sflag:$0x2], $0x10000, $0x38;
	[tilespmem:$0x10200] =	vst v63  }
0x1d: {  	_ =	swait.ge [sflag:s3], $0x10000  }
0x1e: {  	[sflag:s3] =	ssyncset.done $0x0  }
.LBB2_2:
0x1f: {  	[sflag:s3] =	ssyncadd.s32 $0xFFFF0000  }
0x20: {  	_ =	sfence.sel $0x180000  }
0x21: {  	[bflag:$0x0] =	sbarrier.arrive $0xFFFF  }
0x22: {  	p0 =	sne.s32 s0, $0x0;
	_ =	strace $0x90000047  }
0x23: {  	s0 =	sadd.s32 @!p0 $0x100000, s1;
	[bflag:$0x2] =	sbarrier.arrive $0xFFFF  }
0x24: {  	[sflag:s0] =	ssyncadd.tile.s32 @!p0 $0x1;
	_ =	shalt  }
.Lfunc_end2:
_tile_overlayer_lowered:
.L_overlay_start_2:
0x25: {  	(tag) =	ssettag $0x2  }
0x26: {  	s0 =	rddreg [dreg:$0x0];
	s2 =	stileid.u32  }
0x27: {  	s1 =	rddreg [dreg:$0x1];
	p0 =	sne.s32 s2, $0x0  }
0x28: {  	s3 =	rddreg [dreg:$0x2];
	[bflag:$0x3] =	sbarrier.arrive $0xFFFF;
	s2 =	simm.s32 @!p0 $0x1C02  }
0x29: {  	[timem:s3], [sflag:s2] =	dma.local @!p0 [hbm:s0], s1  }
0x2a: {  	s0 =	simm.s32 @!p0 $0x2  }
0x2b: {  	_ =	swait.ge @!p0 [sflag:s0], s1  }
0x2c: {  	s1 =	ssub.s32 @!p0 $0x0, s1;
	[sflag:s0] =	ssyncset.done @!p0 $0x0  }
0x2d: {  	[sflag:s0] =	ssyncadd.s32 @!p0 s1  }
0x2e: {  	[bflag:$0x3] =	sbarrier.arrive $0xFFFF  }
0x2f: {  	_ =	shalt  }

</sc_bundles>
